<compile_context>
chip_gen: v7x
topology: tpu7x:2x2x1
jax: 0.10.2.dev20260603
libtpu: 0.0.44.dev20260713+nightly
codegen_flags: <defaults>
</compile_context>

<pallas_src>
import functools

import jax
import jax.numpy as jnp
from jax import lax
from jax.experimental import pallas as pl
from jax.experimental.pallas import tpu as pltpu
from jax.experimental.pallas import tpu_sc as plsc

B, C, HW = 8, 64, 1024
K = 1024
N = B * HW
COMMITMENT_COST = 0.25
LOSS_SCALE = (1.0 + COMMITMENT_COST) / (N * C)


def _tournament_argmin(d):
    h = d.shape[0] // 2
    da, db = d[:h], d[h:]
    le = da <= db
    idx = lax.broadcasted_iota(jnp.int32, da.shape, 0) + jnp.where(le, 0, h)
    d = jnp.minimum(da, db)
    while d.shape[0] > 1:
        h = d.shape[0] // 2
        da, db = d[:h], d[h:]
        ia, ib = idx[:h], idx[h:]
        keep_a = (da < db) | ((da == db) & (ia < ib))
        idx = jnp.where(keep_a, ia, ib)
        d = jnp.minimum(da, db)
    return d[0], idx[0]


def _tc_body(x_ref, emb_ref, idx_ref, loss_ref):
    b = pl.program_id(0)
    xb = x_ref[0]
    emb = emb_ref[...]
    mm2 = lax.dot_general(emb, xb + xb, (((1,), (0,)), ((), ())),
                          preferred_element_type=jnp.float32)
    x2 = jnp.sum(xb * xb, axis=0)
    e2 = jnp.sum(emb * emb, axis=1)
    d = (x2[None, :] + e2[:, None]) - mm2
    dmin, idx = _tournament_argmin(d)
    idx_ref[pl.ds(b, 1), :] = idx[None, :]

    @pl.when(b == 0)
    def _():
        loss_ref[0, 0] = 0.0

    loss_ref[0, 0] += jnp.sum(dmin)

    @pl.when(b == B - 1)
    def _():
        loss_ref[0, 0] *= LOSS_SCALE


def _tc_stage(x3, emb, interpret=False):
    return pl.pallas_call(
        _tc_body,
        grid=(B,),
        in_specs=[
            pl.BlockSpec((1, C, HW), lambda b: (b, 0, 0)),
            pl.BlockSpec((K, C), lambda b: (0, 0)),
        ],
        out_specs=[
            pl.BlockSpec((B, HW), lambda b: (0, 0)),
            pl.BlockSpec(memory_space=pltpu.SMEM, block_shape=(1, 1),
                         index_map=lambda b: (0, 0)),
        ],
        out_shape=[
            jax.ShapeDtypeStruct((B, HW), jnp.int32),
            jax.ShapeDtypeStruct((1, 1), jnp.float32),
        ],
        interpret=interpret,
    )(x3, emb)


_NC, _NS = 2, 16
_NW = _NC * _NS
_B_PER_W = N // _NW


def _sc_gather(emb, idx):
    mesh = plsc.VectorSubcoreMesh(core_axis_name="c", subcore_axis_name="s")

    @functools.partial(
        pl.kernel,
        mesh=mesh,
        out_type=jax.ShapeDtypeStruct((N, C), jnp.float32),
        scratch_types=[
            pltpu.VMEM((_B_PER_W,), jnp.int32),
            pltpu.VMEM((_B_PER_W, C), jnp.float32),
            pltpu.SemaphoreType.DMA,
        ],
        compiler_params=pltpu.CompilerParams(use_tc_tiling_on_sc=False),
    )
    def k(emb_hbm, idx_hbm, out_hbm, idx_v, rows_v, sem):
        wid = lax.axis_index("s") * _NC + lax.axis_index("c")
        base = wid * _B_PER_W
        pltpu.sync_copy(idx_hbm.at[pl.ds(base, _B_PER_W)], idx_v)
        pltpu.async_copy(emb_hbm.at[idx_v], rows_v, sem).wait()
        pltpu.sync_copy(rows_v, out_hbm.at[pl.ds(base, _B_PER_W)])

    return k(emb, idx)


def kernel(x, emb):
    x3 = x.reshape(B, C, HW)
    idx, loss = _tc_stage(x3, emb)
    q = _sc_gather(emb, idx.reshape(N))
    quantized = q.reshape(B, 32, 32, C).transpose(0, 3, 1, 2)
    return quantized, loss[0, 0], idx

# --- scband reference (transcript-rebuilt; emitter-appended) ---
"""Pipeline reference for scband-vector-quantizer-12781822673326 (READ-ONLY COPY).

The authoritative reference and input builder live on the scoring server;
editing this copy changes nothing except your own understanding.
"""

import jax, jax.numpy as jnp
import numpy as np

B, C, H, W = 8, 64, 32, 32
K = 1024
COMMITMENT_COST = 0.25


def setup_inputs(seed: int = 0):
    key = jax.random.key(seed)
    k1, k2 = jax.random.split(key)
    x = jax.random.normal(k1, (B, C, H, W), dtype=jnp.float32)
    emb = jax.random.uniform(k2, (K, C), dtype=jnp.float32, minval=-1.0 / K, maxval=1.0 / K)
    return {"x": x, "emb": emb}


def reference(x, emb):
    xp = jnp.transpose(x, (0, 2, 3, 1))
    input_shape = xp.shape
    flat_input = xp.reshape(-1, C)
    distances = (jnp.sum(flat_input ** 2, axis=1, keepdims=True)
                 + jnp.sum(emb ** 2, axis=1)
                 - 2.0 * jnp.matmul(flat_input, emb.T))
    encoding_indices = jnp.argmin(distances, axis=1)
    encodings = jax.nn.one_hot(encoding_indices, K, dtype=jnp.float32)
    quantized = jnp.matmul(encodings, emb).reshape(input_shape)
    e_latent_loss = jnp.mean((jax.lax.stop_gradient(quantized) - xp) ** 2)
    q_latent_loss = jnp.mean((quantized - jax.lax.stop_gradient(xp)) ** 2)
    loss = q_latent_loss + COMMITMENT_COST * e_latent_loss
    quantized = xp + jax.lax.stop_gradient(quantized - xp)
    quantized = jnp.transpose(quantized, (0, 3, 1, 2))
    return quantized, loss, encoding_indices.reshape(input_shape[0], -1)

if __name__ == "__main__":
    import jax
    _d = setup_inputs()
    print(jax.jit(kernel)(*tuple(_d.values())))

</pallas_src>

<mosaic_0001>
#map = affine_map<(d0, d1) -> (0, 0)>
#map1 = affine_map<(d0, d1) -> (0)>
module attributes {stable_mosaic.version = 14 : i64} {
  func.func @k(%arg0: i32, %arg1: i32, %arg2: memref<1024x64xf32, #tpu.memory_space<hbm>>, %arg3: memref<8192xi32, #tpu.memory_space<hbm>>, %arg4: memref<8192x64xf32, #tpu.memory_space<hbm>>, %arg5: memref<256xi32, #tpu.memory_space<vmem>>, %arg6: memref<256x64xf32, #tpu.memory_space<vmem>>, %arg7: memref<!tpu.dma_semaphore, #tpu.memory_space<semaphore_mem>>) attributes {dimension_semantics = [#tpu.dimension_semantics<core_parallel>, #tpu.dimension_semantics<subcore_parallel>], iteration_bounds = array<i64: 2, 16>, scalar_prefetch = 0 : i64, scratch_operands = 3 : i64, tpu.core_type = #tpu.core_type<sc_vector_subcore>, window_params = [{transform_indices = #map}, {transform_indices = #map1}, {transform_indices = #map}]} {
    %mul3A = arith.constant 2 : i32
    %mul3A_0 = arith.muli %arg1, %mul3A : i32
    %add3A = arith.addi %mul3A_0, %arg0 : i32
    %mul3A_1 = arith.constant 256 : i32
    %mul3A_2 = arith.muli %add3A, %mul3A_1 : i32
    "tpu.region"() ({
      %run_scoped3A = tpu.sem_alloc : memref<!tpu.dma_semaphore, #tpu.memory_space<semaphore_mem>>
      %dma_start3A_7 = tpu.memref_slice %arg3[%mul3A_2] : memref<8192xi32, #tpu.memory_space<hbm>> -> memref<256xi32, #tpu.memory_space<hbm>>
      %dma_start3A_8 = tpu.memref_slice %arg3[%mul3A_2] : memref<8192xi32, #tpu.memory_space<hbm>> -> memref<256xi32, #tpu.memory_space<hbm>>
      tpu.enqueue_dma source(%dma_start3A_8 : memref<256xi32, #tpu.memory_space<hbm>>) target(%arg5 : memref<256xi32, #tpu.memory_space<vmem>>) target_semaphore(%run_scoped3A : memref<!tpu.dma_semaphore, #tpu.memory_space<semaphore_mem>>)
      %dma_wait3A_9 = tpu.memref_slice %arg3[%mul3A_2] : memref<8192xi32, #tpu.memory_space<hbm>> -> memref<256xi32, #tpu.memory_space<hbm>>
      %dma_wait3A_10 = tpu.memref_slice %arg3[%mul3A_2] : memref<8192xi32, #tpu.memory_space<hbm>> -> memref<256xi32, #tpu.memory_space<hbm>>
      tpu.wait_dma2 semaphore(%run_scoped3A : memref<!tpu.dma_semaphore, #tpu.memory_space<semaphore_mem>>) src(%dma_wait3A_10 : memref<256xi32, #tpu.memory_space<hbm>>) dst(%arg5 : memref<256xi32, #tpu.memory_space<vmem>>)
      tpu.yield
    }) : () -> ()
    %dma_start3A = arith.constant 0 : i32
    %dma_start3A_3 = arith.constant 0 : i32
    %dma_start3A_4 = tpu.memref_slice %arg2[%dma_start3A, %dma_start3A_3] : memref<1024x64xf32, #tpu.memory_space<hbm>> -> memref<1024x64xf32, #tpu.memory_space<hbm>>
    tpu.enqueue_indirect_dma source(%dma_start3A_4 : memref<1024x64xf32, #tpu.memory_space<hbm>>) target(%arg6 : memref<256x64xf32, #tpu.memory_space<vmem>>) offsets(%arg5 : memref<256xi32, #tpu.memory_space<vmem>>) semaphore(%arg7 : memref<!tpu.dma_semaphore, #tpu.memory_space<semaphore_mem>>)
    %dma_wait3A = arith.constant 0 : i32
    %dma_wait3A_5 = arith.constant 0 : i32
    %dma_wait3A_6 = tpu.memref_slice %arg2[%dma_wait3A, %dma_wait3A_5] : memref<1024x64xf32, #tpu.memory_space<hbm>> -> memref<1024x64xf32, #tpu.memory_space<hbm>>
    tpu.wait_indirect_dma semaphore(%arg7 : memref<!tpu.dma_semaphore, #tpu.memory_space<semaphore_mem>>) src(%dma_wait3A_6 : memref<1024x64xf32, #tpu.memory_space<hbm>>) dst(%arg6 : memref<256x64xf32, #tpu.memory_space<vmem>>)
    "tpu.region"() ({
      %run_scoped3A = tpu.sem_alloc : memref<!tpu.dma_semaphore, #tpu.memory_space<semaphore_mem>>
      %dma_start3A_7 = arith.constant 0 : i32
      %dma_start3A_8 = tpu.memref_slice %arg4[%mul3A_2, %dma_start3A_7] : memref<8192x64xf32, #tpu.memory_space<hbm>> -> memref<256x64xf32, #tpu.memory_space<hbm>>
      %dma_start3A_9 = arith.constant 0 : i32
      %dma_start3A_10 = tpu.memref_slice %arg4[%mul3A_2, %dma_start3A_9] : memref<8192x64xf32, #tpu.memory_space<hbm>> -> memref<256x64xf32, #tpu.memory_space<hbm>>
      tpu.enqueue_dma source(%arg6 : memref<256x64xf32, #tpu.memory_space<vmem>>) target(%dma_start3A_10 : memref<256x64xf32, #tpu.memory_space<hbm>>) target_semaphore(%run_scoped3A : memref<!tpu.dma_semaphore, #tpu.memory_space<semaphore_mem>>)
      %dma_wait3A_11 = arith.constant 0 : i32
      %dma_wait3A_12 = tpu.memref_slice %arg4[%mul3A_2, %dma_wait3A_11] : memref<8192x64xf32, #tpu.memory_space<hbm>> -> memref<256x64xf32, #tpu.memory_space<hbm>>
      %dma_wait3A_13 = arith.constant 0 : i32
      %dma_wait3A_14 = tpu.memref_slice %arg4[%mul3A_2, %dma_wait3A_13] : memref<8192x64xf32, #tpu.memory_space<hbm>> -> memref<256x64xf32, #tpu.memory_space<hbm>>
      tpu.wait_dma2 semaphore(%run_scoped3A : memref<!tpu.dma_semaphore, #tpu.memory_space<semaphore_mem>>) src(%arg6 : memref<256x64xf32, #tpu.memory_space<vmem>>) dst(%dma_wait3A_14 : memref<256x64xf32, #tpu.memory_space<hbm>>)
      tpu.yield
    }) : () -> ()
    return
  }
}

module attributes {stable_mosaic.version = 14 : i64} {
  func.func @_tc_body(%arg0: i32, %arg1: memref<1x64x1024xf32, #tpu.memory_space<vmem>>, %arg2: memref<1024x64xf32, #tpu.memory_space<vmem>>, %arg3: memref<8x1024xi32, #tpu.memory_space<vmem>>, %arg4: memref<1x1xf32, #tpu.memory_space<smem>>) attributes {dimension_semantics = [#tpu.dimension_semantics<arbitrary>], iteration_bounds = array<i64: 8>, scalar_prefetch = 0 : i64, scratch_operands = 0 : i64, tpu.core_type = #tpu.core_type<tc>, window_params = [{transform_indices = @transform_0, window_bounds = array<i64: 1, 64, 1024>}, {pipeline_mode = #tpu.pipeline_mode<synchronous>, transform_indices = @transform_1, window_bounds = array<i64: 1024, 64>}, {pipeline_mode = #tpu.pipeline_mode<synchronous>, transform_indices = @transform_2, window_bounds = array<i64: 8, 1024>}, {transform_indices = @transform_3, window_bounds = array<i64: 1, 1>}]} {
    %get3A = arith.constant 0 : index
    %get3A_0 = arith.constant 0 : index
    %get3A_1 = arith.constant 0 : index
    %get3A_2 = vector.load %arg1[%get3A, %get3A_0, %get3A_1] : memref<1x64x1024xf32, #tpu.memory_space<vmem>>, vector<1x64x1024xf32>
    %get3A_3 = vector.shape_cast %get3A_2 : vector<1x64x1024xf32> to vector<64x1024xf32>
    %get3A_4 = arith.constant 0 : index
    %get3A_5 = arith.constant 0 : index
    %get3A_6 = vector.load %arg2[%get3A_4, %get3A_5] : memref<1024x64xf32, #tpu.memory_space<vmem>>, vector<1024x64xf32>
    %add3A = arith.addf %get3A_3, %get3A_3 : vector<64x1024xf32>
    %dot_general3A = arith.constant dense<0.000000e+00> : vector<1024x1024xf32>
    %dot_general3A_7 = tpu.matmul %get3A_6, %add3A, %dot_general3A {dimension_numbers = #tpu.dot_dimension_numbers<[1], [0], [0], [1], [0, 0, 1, 1], [], []>, transpose_lhs_hint = false} : vector<1024x64xf32>, vector<64x1024xf32>, vector<1024x1024xf32> -> vector<1024x1024xf32>
    %mul3A = arith.mulf %get3A_3, %get3A_3 : vector<64x1024xf32>
    %reduce_sum3A = arith.constant dense<0.000000e+00> : vector<1024xf32>
    %reduce_sum3A_8 = vector.multi_reduction <add>, %mul3A, %reduce_sum3A [0] : vector<64x1024xf32> to vector<1024xf32>
    %mul3A_9 = arith.mulf %get3A_6, %get3A_6 : vector<1024x64xf32>
    %reduce_sum3A_10 = arith.constant dense<0.000000e+00> : vector<1024xf32>
    %reduce_sum3A_11 = vector.multi_reduction <add>, %mul3A_9, %reduce_sum3A_10 [1] : vector<1024x64xf32> to vector<1024xf32>
    %broadcast_in_dim3A = vector.shape_cast %reduce_sum3A_8 : vector<1024xf32> to vector<1x1024xf32>
    %broadcast_in_dim3A_12 = vector.shape_cast %reduce_sum3A_11 : vector<1024xf32> to vector<1024x1xf32>
    %add3A_13 = vector.broadcast %broadcast_in_dim3A : vector<1x1024xf32> to vector<1024x1024xf32>
    %add3A_14 = vector.broadcast %broadcast_in_dim3A_12 : vector<1024x1xf32> to vector<1024x1024xf32>
    %add3A_15 = arith.addf %add3A_13, %add3A_14 : vector<1024x1024xf32>
    %sub3A = arith.subf %add3A_15, %dot_general3A_7 : vector<1024x1024xf32>
    %slice3A = vector.extract_strided_slice %sub3A {offsets = [0, 0], sizes = [512, 1024], strides = [1, 1]} : vector<1024x1024xf32> to vector<512x1024xf32>
    %slice3A_16 = vector.extract_strided_slice %sub3A {offsets = [512, 0], sizes = [512, 1024], strides = [1, 1]} : vector<1024x1024xf32> to vector<512x1024xf32>
    %le3A = arith.cmpf ole, %slice3A, %slice3A_16 : vector<512x1024xf32>
    %iota3A = tpu.iota {dimensions = array<i32: 0>} : vector<512x1024xi32>
    %jit3A = arith.constant 0 : i32
    %jit3A_17 = arith.constant 512 : i32
    %broadcast_in_dim3A_18 = vector.broadcast %jit3A : i32 to vector<512x1024xi32>
    %broadcast_in_dim3A_19 = vector.broadcast %jit3A_17 : i32 to vector<512x1024xi32>
    %select_n3A = arith.select %le3A, %broadcast_in_dim3A_18, %broadcast_in_dim3A_19 : vector<512x1024xi1>, vector<512x1024xi32>
    %add3A_20 = arith.addi %iota3A, %select_n3A : vector<512x1024xi32>
    %min3A = arith.minimumf %slice3A, %slice3A_16 : vector<512x1024xf32>
    %slice3A_21 = vector.extract_strided_slice %min3A {offsets = [0, 0], sizes = [256, 1024], strides = [1, 1]} : vector<512x1024xf32> to vector<256x1024xf32>
    %slice3A_22 = vector.extract_strided_slice %min3A {offsets = [256, 0], sizes = [256, 1024], strides = [1, 1]} : vector<512x1024xf32> to vector<256x1024xf32>
    %slice3A_23 = vector.extract_strided_slice %add3A_20 {offsets = [0, 0], sizes = [256, 1024], strides = [1, 1]} : vector<512x1024xi32> to vector<256x1024xi32>
    %slice3A_24 = vector.extract_strided_slice %add3A_20 {offsets = [256, 0], sizes = [256, 1024], strides = [1, 1]} : vector<512x1024xi32> to vector<256x1024xi32>
    %lt3A = arith.cmpf olt, %slice3A_21, %slice3A_22 : vector<256x1024xf32>
    %eq3A = arith.cmpf oeq, %slice3A_21, %slice3A_22 : vector<256x1024xf32>
    %lt3A_25 = arith.cmpi slt, %slice3A_23, %slice3A_24 : vector<256x1024xi32>
    %and3A = arith.andi %eq3A, %lt3A_25 : vector<256x1024xi1>
    %or3A = arith.ori %lt3A, %and3A : vector<256x1024xi1>
    %select_n3A_26 = arith.select %or3A, %slice3A_23, %slice3A_24 : vector<256x1024xi1>, vector<256x1024xi32>
    %min3A_27 = arith.minimumf %slice3A_21, %slice3A_22 : vector<256x1024xf32>
    %slice3A_28 = vector.extract_strided_slice %min3A_27 {offsets = [0, 0], sizes = [128, 1024], strides = [1, 1]} : vector<256x1024xf32> to vector<128x1024xf32>
    %slice3A_29 = vector.extract_strided_slice %min3A_27 {offsets = [128, 0], sizes = [128, 1024], strides = [1, 1]} : vector<256x1024xf32> to vector<128x1024xf32>
    %slice3A_30 = vector.extract_strided_slice %select_n3A_26 {offsets = [0, 0], sizes = [128, 1024], strides = [1, 1]} : vector<256x1024xi32> to vector<128x1024xi32>
    %slice3A_31 = vector.extract_strided_slice %select_n3A_26 {offsets = [128, 0], sizes = [128, 1024], strides = [1, 1]} : vector<256x1024xi32> to vector<128x1024xi32>
    %lt3A_32 = arith.cmpf olt, %slice3A_28, %slice3A_29 : vector<128x1024xf32>
    %eq3A_33 = arith.cmpf oeq, %slice3A_28, %slice3A_29 : vector<128x1024xf32>
    %lt3A_34 = arith.cmpi slt, %slice3A_30, %slice3A_31 : vector<128x1024xi32>
    %and3A_35 = arith.andi %eq3A_33, %lt3A_34 : vector<128x1024xi1>
    %or3A_36 = arith.ori %lt3A_32, %and3A_35 : vector<128x1024xi1>
    %select_n3A_37 = arith.select %or3A_36, %slice3A_30, %slice3A_31 : vector<128x1024xi1>, vector<128x1024xi32>
    %min3A_38 = arith.minimumf %slice3A_28, %slice3A_29 : vector<128x1024xf32>
    %slice3A_39 = vector.extract_strided_slice %min3A_38 {offsets = [0, 0], sizes = [64, 1024], strides = [1, 1]} : vector<128x1024xf32> to vector<64x1024xf32>
    %slice3A_40 = vector.extract_strided_slice %min3A_38 {offsets = [64, 0], sizes = [64, 1024], strides = [1, 1]} : vector<128x1024xf32> to vector<64x1024xf32>
    %slice3A_41 = vector.extract_strided_slice %select_n3A_37 {offsets = [0, 0], sizes = [64, 1024], strides = [1, 1]} : vector<128x1024xi32> to vector<64x1024xi32>
    %slice3A_42 = vector.extract_strided_slice %select_n3A_37 {offsets = [64, 0], sizes = [64, 1024], strides = [1, 1]} : vector<128x1024xi32> to vector<64x1024xi32>
    %lt3A_43 = arith.cmpf olt, %slice3A_39, %slice3A_40 : vector<64x1024xf32>
    %eq3A_44 = arith.cmpf oeq, %slice3A_39, %slice3A_40 : vector<64x1024xf32>
    %lt3A_45 = arith.cmpi slt, %slice3A_41, %slice3A_42 : vector<64x1024xi32>
    %and3A_46 = arith.andi %eq3A_44, %lt3A_45 : vector<64x1024xi1>
    %or3A_47 = arith.ori %lt3A_43, %and3A_46 : vector<64x1024xi1>
    %select_n3A_48 = arith.select %or3A_47, %slice3A_41, %slice3A_42 : vector<64x1024xi1>, vector<64x1024xi32>
    %min3A_49 = arith.minimumf %slice3A_39, %slice3A_40 : vector<64x1024xf32>
    %slice3A_50 = vector.extract_strided_slice %min3A_49 {offsets = [0, 0], sizes = [32, 1024], strides = [1, 1]} : vector<64x1024xf32> to vector<32x1024xf32>
    %slice3A_51 = vector.extract_strided_slice %min3A_49 {offsets = [32, 0], sizes = [32, 1024], strides = [1, 1]} : vector<64x1024xf32> to vector<32x1024xf32>
    %slice3A_52 = vector.extract_strided_slice %select_n3A_48 {offsets = [0, 0], sizes = [32, 1024], strides = [1, 1]} : vector<64x1024xi32> to vector<32x1024xi32>
    %slice3A_53 = vector.extract_strided_slice %select_n3A_48 {offsets = [32, 0], sizes = [32, 1024], strides = [1, 1]} : vector<64x1024xi32> to vector<32x1024xi32>
    %lt3A_54 = arith.cmpf olt, %slice3A_50, %slice3A_51 : vector<32x1024xf32>
    %eq3A_55 = arith.cmpf oeq, %slice3A_50, %slice3A_51 : vector<32x1024xf32>
    %lt3A_56 = arith.cmpi slt, %slice3A_52, %slice3A_53 : vector<32x1024xi32>
    %and3A_57 = arith.andi %eq3A_55, %lt3A_56 : vector<32x1024xi1>
    %or3A_58 = arith.ori %lt3A_54, %and3A_57 : vector<32x1024xi1>
    %select_n3A_59 = arith.select %or3A_58, %slice3A_52, %slice3A_53 : vector<32x1024xi1>, vector<32x1024xi32>
    %min3A_60 = arith.minimumf %slice3A_50, %slice3A_51 : vector<32x1024xf32>
    %slice3A_61 = vector.extract_strided_slice %min3A_60 {offsets = [0, 0], sizes = [16, 1024], strides = [1, 1]} : vector<32x1024xf32> to vector<16x1024xf32>
    %slice3A_62 = vector.extract_strided_slice %min3A_60 {offsets = [16, 0], sizes = [16, 1024], strides = [1, 1]} : vector<32x1024xf32> to vector<16x1024xf32>
    %slice3A_63 = vector.extract_strided_slice %select_n3A_59 {offsets = [0, 0], sizes = [16, 1024], strides = [1, 1]} : vector<32x1024xi32> to vector<16x1024xi32>
    %slice3A_64 = vector.extract_strided_slice %select_n3A_59 {offsets = [16, 0], sizes = [16, 1024], strides = [1, 1]} : vector<32x1024xi32> to vector<16x1024xi32>
    %lt3A_65 = arith.cmpf olt, %slice3A_61, %slice3A_62 : vector<16x1024xf32>
    %eq3A_66 = arith.cmpf oeq, %slice3A_61, %slice3A_62 : vector<16x1024xf32>
    %lt3A_67 = arith.cmpi slt, %slice3A_63, %slice3A_64 : vector<16x1024xi32>
    %and3A_68 = arith.andi %eq3A_66, %lt3A_67 : vector<16x1024xi1>
    %or3A_69 = arith.ori %lt3A_65, %and3A_68 : vector<16x1024xi1>
    %select_n3A_70 = arith.select %or3A_69, %slice3A_63, %slice3A_64 : vector<16x1024xi1>, vector<16x1024xi32>
    %min3A_71 = arith.minimumf %slice3A_61, %slice3A_62 : vector<16x1024xf32>
    %slice3A_72 = vector.extract_strided_slice %min3A_71 {offsets = [0, 0], sizes = [8, 1024], strides = [1, 1]} : vector<16x1024xf32> to vector<8x1024xf32>
    %slice3A_73 = vector.extract_strided_slice %min3A_71 {offsets = [8, 0], sizes = [8, 1024], strides = [1, 1]} : vector<16x1024xf32> to vector<8x1024xf32>
    %slice3A_74 = vector.extract_strided_slice %select_n3A_70 {offsets = [0, 0], sizes = [8, 1024], strides = [1, 1]} : vector<16x1024xi32> to vector<8x1024xi32>
    %slice3A_75 = vector.extract_strided_slice %select_n3A_70 {offsets = [8, 0], sizes = [8, 1024], strides = [1, 1]} : vector<16x1024xi32> to vector<8x1024xi32>
    %lt3A_76 = arith.cmpf olt, %slice3A_72, %slice3A_73 : vector<8x1024xf32>
    %eq3A_77 = arith.cmpf oeq, %slice3A_72, %slice3A_73 : vector<8x1024xf32>
    %lt3A_78 = arith.cmpi slt, %slice3A_74, %slice3A_75 : vector<8x1024xi32>
    %and3A_79 = arith.andi %eq3A_77, %lt3A_78 : vector<8x1024xi1>
    %or3A_80 = arith.ori %lt3A_76, %and3A_79 : vector<8x1024xi1>
    %select_n3A_81 = arith.select %or3A_80, %slice3A_74, %slice3A_75 : vector<8x1024xi1>, vector<8x1024xi32>
    %min3A_82 = arith.minimumf %slice3A_72, %slice3A_73 : vector<8x1024xf32>
    %slice3A_83 = vector.extract_strided_slice %min3A_82 {offsets = [0, 0], sizes = [4, 1024], strides = [1, 1]} : vector<8x1024xf32> to vector<4x1024xf32>
    %slice3A_84 = vector.extract_strided_slice %min3A_82 {offsets = [4, 0], sizes = [4, 1024], strides = [1, 1]} : vector<8x1024xf32> to vector<4x1024xf32>
    %slice3A_85 = vector.extract_strided_slice %select_n3A_81 {offsets = [0, 0], sizes = [4, 1024], strides = [1, 1]} : vector<8x1024xi32> to vector<4x1024xi32>
    %slice3A_86 = vector.extract_strided_slice %select_n3A_81 {offsets = [4, 0], sizes = [4, 1024], strides = [1, 1]} : vector<8x1024xi32> to vector<4x1024xi32>
    %lt3A_87 = arith.cmpf olt, %slice3A_83, %slice3A_84 : vector<4x1024xf32>
    %eq3A_88 = arith.cmpf oeq, %slice3A_83, %slice3A_84 : vector<4x1024xf32>
    %lt3A_89 = arith.cmpi slt, %slice3A_85, %slice3A_86 : vector<4x1024xi32>
    %and3A_90 = arith.andi %eq3A_88, %lt3A_89 : vector<4x1024xi1>
    %or3A_91 = arith.ori %lt3A_87, %and3A_90 : vector<4x1024xi1>
    %select_n3A_92 = arith.select %or3A_91, %slice3A_85, %slice3A_86 : vector<4x1024xi1>, vector<4x1024xi32>
    %min3A_93 = arith.minimumf %slice3A_83, %slice3A_84 : vector<4x1024xf32>
    %slice3A_94 = vector.extract_strided_slice %min3A_93 {offsets = [0, 0], sizes = [2, 1024], strides = [1, 1]} : vector<4x1024xf32> to vector<2x1024xf32>
    %slice3A_95 = vector.extract_strided_slice %min3A_93 {offsets = [2, 0], sizes = [2, 1024], strides = [1, 1]} : vector<4x1024xf32> to vector<2x1024xf32>
    %slice3A_96 = vector.extract_strided_slice %select_n3A_92 {offsets = [0, 0], sizes = [2, 1024], strides = [1, 1]} : vector<4x1024xi32> to vector<2x1024xi32>
    %slice3A_97 = vector.extract_strided_slice %select_n3A_92 {offsets = [2, 0], sizes = [2, 1024], strides = [1, 1]} : vector<4x1024xi32> to vector<2x1024xi32>
    %lt3A_98 = arith.cmpf olt, %slice3A_94, %slice3A_95 : vector<2x1024xf32>
    %eq3A_99 = arith.cmpf oeq, %slice3A_94, %slice3A_95 : vector<2x1024xf32>
    %lt3A_100 = arith.cmpi slt, %slice3A_96, %slice3A_97 : vector<2x1024xi32>
    %and3A_101 = arith.andi %eq3A_99, %lt3A_100 : vector<2x1024xi1>
    %or3A_102 = arith.ori %lt3A_98, %and3A_101 : vector<2x1024xi1>
    %select_n3A_103 = arith.select %or3A_102, %slice3A_96, %slice3A_97 : vector<2x1024xi1>, vector<2x1024xi32>
    %min3A_104 = arith.minimumf %slice3A_94, %slice3A_95 : vector<2x1024xf32>
    %slice3A_105 = vector.extract_strided_slice %min3A_104 {offsets = [0, 0], sizes = [1, 1024], strides = [1, 1]} : vector<2x1024xf32> to vector<1x1024xf32>
    %slice3A_106 = vector.extract_strided_slice %min3A_104 {offsets = [1, 0], sizes = [1, 1024], strides = [1, 1]} : vector<2x1024xf32> to vector<1x1024xf32>
    %slice3A_107 = vector.extract_strided_slice %select_n3A_103 {offsets = [0, 0], sizes = [1, 1024], strides = [1, 1]} : vector<2x1024xi32> to vector<1x1024xi32>
    %slice3A_108 = vector.extract_strided_slice %select_n3A_103 {offsets = [1, 0], sizes = [1, 1024], strides = [1, 1]} : vector<2x1024xi32> to vector<1x1024xi32>
    %lt3A_109 = arith.cmpf olt, %slice3A_105, %slice3A_106 : vector<1x1024xf32>
    %eq3A_110 = arith.cmpf oeq, %slice3A_105, %slice3A_106 : vector<1x1024xf32>
    %lt3A_111 = arith.cmpi slt, %slice3A_107, %slice3A_108 : vector<1x1024xi32>
    %and3A_112 = arith.andi %eq3A_110, %lt3A_111 : vector<1x1024xi1>
    %or3A_113 = arith.ori %lt3A_109, %and3A_112 : vector<1x1024xi1>
    %select_n3A_114 = arith.select %or3A_113, %slice3A_107, %slice3A_108 : vector<1x1024xi1>, vector<1x1024xi32>
    %min3A_115 = arith.minimumf %slice3A_105, %slice3A_106 : vector<1x1024xf32>
    %squeeze3A = vector.shape_cast %min3A_115 : vector<1x1024xf32> to vector<1024xf32>
    %squeeze3A_116 = vector.shape_cast %select_n3A_114 : vector<1x1024xi32> to vector<1024xi32>
    %broadcast_in_dim3A_117 = vector.shape_cast %squeeze3A_116 : vector<1024xi32> to vector<1x1024xi32>
    %swap3A = arith.index_cast %arg0 : i32 to index
    %swap3A_118 = arith.constant 0 : index
    %swap3A_119 = vector.load %arg3[%swap3A, %swap3A_118] : memref<8x1024xi32, #tpu.memory_space<vmem>>, vector<1x1024xi32>
    tpu.vector_store %arg3[%swap3A, %swap3A_118], %broadcast_in_dim3A_117 {strides = array<i32>} : memref<8x1024xi32, #tpu.memory_space<vmem>>, vector<1x1024xi32>,
    %eq3A_120 = arith.constant 0 : i32
    %eq3A_121 = arith.cmpi eq, %arg0, %eq3A_120 : i32
    %convert_element_type3A = arith.extui %eq3A_121 : i1 to i32
    %cond3A = arith.constant 0 : i32
    %cond3A_122 = arith.cmpi ne, %convert_element_type3A, %cond3A : i32
    scf.if %cond3A_122 {
      %swap3A_140 = arith.constant 0.000000e+00 : f32
      %swap3A_141 = arith.constant 0 : index
      %swap3A_142 = arith.constant 0 : index
      %swap3A_143 = memref.load %arg4[%swap3A_141, %swap3A_142] : memref<1x1xf32, #tpu.memory_space<smem>>
      memref.store %swap3A_140, %arg4[%swap3A_141, %swap3A_142] : memref<1x1xf32, #tpu.memory_space<smem>>
    } else {
    }
    %get3A_123 = arith.constant 0 : index
    %get3A_124 = arith.constant 0 : index
    %get3A_125 = memref.load %arg4[%get3A_123, %get3A_124] : memref<1x1xf32, #tpu.memory_space<smem>>
    %reduce_sum3A_126 = vector.shape_cast %squeeze3A : vector<1024xf32> to vector<1x1024xf32>
    %reduce_sum3A_127 = arith.constant dense<0.000000e+00> : vector<1xf32>
    %reduce_sum3A_128 = vector.multi_reduction <add>, %reduce_sum3A_126, %reduce_sum3A_127 [1] : vector<1x1024xf32> to vector<1xf32>
    %reduce_sum3A_129 = vector.shape_cast %reduce_sum3A_128 : vector<1xf32> to vector<1x1xf32>
    %reduce_sum3A_130 = vector.extract %reduce_sum3A_129[0, 0] : f32 from vector<1x1xf32>
    %add3A_131 = arith.addf %get3A_125, %reduce_sum3A_130 : f32
    %swap3A_132 = arith.constant 0 : index
    %swap3A_133 = arith.constant 0 : index
    %swap3A_134 = memref.load %arg4[%swap3A_132, %swap3A_133] : memref<1x1xf32, #tpu.memory_space<smem>>
    memref.store %add3A_131, %arg4[%swap3A_132, %swap3A_133] : memref<1x1xf32, #tpu.memory_space<smem>>
    %eq3A_135 = arith.constant 7 : i32
    %eq3A_136 = arith.cmpi eq, %arg0, %eq3A_135 : i32
    %convert_element_type3A_137 = arith.extui %eq3A_136 : i1 to i32
    %cond3A_138 = arith.constant 0 : i32
    %cond3A_139 = arith.cmpi ne, %convert_element_type3A_137, %cond3A_138 : i32
    scf.if %cond3A_139 {
      %get3A_140 = arith.constant 0 : index
      %get3A_141 = arith.constant 0 : index
      %get3A_142 = memref.load %arg4[%get3A_140, %get3A_141] : memref<1x1xf32, #tpu.memory_space<smem>>
      %mul3A_143 = arith.constant 2.38418579E-6 : f32
      %mul3A_144 = arith.mulf %get3A_142, %mul3A_143 : f32
      %swap3A_145 = arith.constant 0 : index
      %swap3A_146 = arith.constant 0 : index
      %swap3A_147 = memref.load %arg4[%swap3A_145, %swap3A_146] : memref<1x1xf32, #tpu.memory_space<smem>>
      memref.store %mul3A_144, %arg4[%swap3A_145, %swap3A_146] : memref<1x1xf32, #tpu.memory_space<smem>>
    } else {
    }
    return
  }
  func.func @transform_0(%arg0: i32) -> (i32, i32, i32) {
    %c0_i32 = arith.constant 0 : i32
    %c0_i32_0 = arith.constant 0 : i32
    %c0_i32_1 = arith.constant 0 : i32
    return %arg0, %c0_i32, %c0_i32_0 : i32, i32, i32
  }
  func.func @transform_1(%arg0: i32) -> (i32, i32) {
    %c0_i32 = arith.constant 0 : i32
    %c0_i32_0 = arith.constant 0 : i32
    %c0_i32_1 = arith.constant 0 : i32
    return %c0_i32, %c0_i32_0 : i32, i32
  }
  func.func @transform_2(%arg0: i32) -> (i32, i32) {
    %c0_i32 = arith.constant 0 : i32
    %c0_i32_0 = arith.constant 0 : i32
    %c0_i32_1 = arith.constant 0 : i32
    return %c0_i32, %c0_i32_0 : i32, i32
  }
  func.func @transform_3(%arg0: i32) -> (i32, i32) {
    %c0_i32 = arith.constant 0 : i32
    %c0_i32_0 = arith.constant 0 : i32
    %c0_i32_1 = arith.constant 0 : i32
    return %c0_i32, %c0_i32_0 : i32, i32
  }
}

</mosaic_0001>

<sc_bundles>
// kernel: kernel.4.cloned.1.call-start
scs
__scs_entry_jumppad:
0x0: {  	(pc) =	sbr.rel $0x88, $3  }
0x1: {  	(tag) =	ssettag $0x0;
	lr =	simm.s32 $0x1  }
0x2: {  	[smem:$0x3F9F] =	sst lr;
	_ =	strace $0xD0000000  }
0x3: {  	_ = 	snop  }
0x4: {  	_ = 	snop  }
0x5: {  	_ = 	snop  }
0x6: {  	_ = 	snop  }
0x7: {  	_ = 	snop  }
__scs_overlays_trampoline_lowered:
0x8: {  	[smem:$0x3FAE] =	sst s0  }
0x9: {  	[smem:$0x3FAF] =	sst s1  }
0xa: {  	[smem:$0x3FB0] =	sst s2  }
0xb: {  	[smem:$0x3FB1] =	sst s3  }
0xc: {  	[smem:$0x3FB2] =	sst s4  }
0xd: {  	[smem:$0x3FB3] =	sst s5  }
0xe: {  	[smem:$0x3FB4] =	sst s6  }
0xf: {  	[smem:$0x3FB5] =	sst s7  }
0x10: {  	[smem:$0x3FB6] =	sst s8  }
0x11: {  	[smem:$0x3FB7] =	sst s9;
	s0 =	simm.s32 @!p0 $0x0  }
0x12: {  	s1 =	sld [smem:$0x3F9D];
	s0 =	simm.s32 @p0 $0x1  }
0x13: {  	[smem:$0x3FB8] =	sst s0;
	s0 =	simm.s32 @!p1 $0x0  }
0x14: {  	s2 =	sld [smem:$0x3F9C];
	s0 =	simm.s32 @p1 $0x1  }
0x15: {  	[smem:$0x3FB9] =	sst s0;
	s0 =	simm.s32 @!p2 $0x0  }
0x16: {  	s3 =	sld [smem:$0x3FDB];
	s0 =	simm.s32 @p2 $0x1  }
0x17: {  	s4 =	simm.s32 $0x1BF5;
	[smem:$0x3FBB] =	sst s0  }
0x18: {  	s0 =	sld [smem:$0x3F9E];
	_ =	swait.ge [sflag:s4], $0x0  }
0x19: {  	s7 =	sld [smem:$0x3F9F]  }
0x1a: {  	s8 =	sadd.s32 $0xFFFFE003, lr  }
0x1b: {  	s9 =	sadd.s32 $0xFFFFFEF7, lr;
	s5 =	simm.s32 $0xFFFFFFFF;
	p2 =	slt.u32 s8, $0xFFFFF086  }
0x1c: {  	p1 =	slt.u32 s9, $0xF7A;
	s5 =	simm.s32 @!p2 $0x0  }
0x1d: {  	s5 =	simm.s32 @p1 $0x1;
	p0 =	seq.s32 s7, s2  }
0x1e: {  	s7 =	smul.u32 @!p0 $0xF7A, s2;
	p2 =	seq.s32 @!p0 s5, $0x0  }
0x1f: {  	s9 =	smul.u32 $0xF7A, s1;
	s8 =	simm.s32 @!p0 $0x1BF5;
	p2 =	por !p2, p0  }
0x20: {  	[sflag:s8] =	ssyncset.s32 @!p0 $0xFFFFF086;
	s6 =	sadd.s32 @!p0 s3, s7;
	s7 =	simm.s32 @!p0 $0x108  }
0x21: {  	s3 =	sadd.s32 s3, s9;
	s6 =	sadd.s32 @!p0 $0x88, s6;
	s7 =	simm.s32 @p2 $0x1082  }
0x22: {  	[simem:s7], [sflag:s8] =	dma.local @!p0 [hbm:s6], $0xF7A  }
0x23: {  	s9 =	sor.u32 $0xD0000000, s2;
	s6 =	simm.s32 $0x108;
	_ =	swait.ge @!p0 [sflag:s8], $0x0  }
0x24: {  	s3 =	sadd.s32 $0x88, s3;
	s6 =	simm.s32 @!p1 $0x1082;
	[sflag:s4] =	ssyncset.s32 $0xFFFFF086  }
0x25: {  	[simem:s6], [sflag:s4] =	dma.local [hbm:s3], $0xF7A  }
0x26: {  	[smem:$0x3F9F] =	sst s1;
	(tag) =	ssettag s2;
	_ =	strace s9  }
0x27: {  	s1 =	sld [smem:$0x3FAF]  }
0x28: {  	s2 =	sld [smem:$0x3FB0]  }
0x29: {  	s4 =	sld [smem:$0x3FB2]  }
0x2a: {  	p0 =	seq.s32 s5, $0x0;
	s5 =	sld [smem:$0x3FB3]  }
0x2b: {  	s6 =	sld [smem:$0x3FB4]  }
0x2c: {  	s7 =	sld [smem:$0x3FB5]  }
0x2d: {  	s3 =	simm.s32 $0x108;
	s8 =	sld [smem:$0x3FB6]  }
0x2e: {  	s3 =	simm.s32 @!p0 $0x1082;
	s9 =	sld [smem:$0x3FB7]  }
0x2f: {  	lr =	sadd.s32 s0, s3;
	s0 =	sld [smem:$0x3FAE]  }
0x30: {  	s3 =	sld [smem:$0x3FB1]  }
0x31: {  	[smem:$0x3FBA] =	sst s10  }
0x32: {  	s10 =	sld [smem:$0x3FB8];
	_ =	sdelay $0x3  }
0x33: {  	p0 =	seq.s32 s10, $0x1;
	s10 =	sld [smem:$0x3FBA];
	_ =	sdelay $0x3  }
0x34: {  	[smem:$0x3FBA] =	sst s10  }
0x35: {  	s10 =	sld [smem:$0x3FB9];
	_ =	sdelay $0x3  }
0x36: {  	p1 =	seq.s32 s10, $0x1;
	s10 =	sld [smem:$0x3FBA];
	_ =	sdelay $0x3  }
0x37: {  	[smem:$0x3FBA] =	sst s10  }
0x38: {  	s10 =	sld [smem:$0x3FBB]  }
0x39: {  	_ = 	snop;
	(pc) =	sbr.ind lr, $3  }
0x3a: {  	_ = 	snop  }
0x3b: {  	_ = 	snop  }
0x3c: {  	p2 =	seq.s32 s10, $0x1;
	s10 =	sld [smem:$0x3FBA]  }
0x3d: {  	_ =	shalt  }
0x3e: {  	_ =	shalt  }
0x3f: {  	_ =	shalt  }
0x40: {  	_ =	shalt  }
0x41: {  	_ =	shalt  }
0x42: {  	_ =	shalt  }
0x43: {  	_ =	shalt  }
0x44: {  	_ =	shalt  }
0x45: {  	_ =	shalt  }
0x46: {  	_ =	shalt  }
0x47: {  	_ =	shalt  }
0x48: {  	_ =	shalt  }
0x49: {  	_ =	shalt  }
0x4a: {  	_ =	shalt  }
0x4b: {  	_ =	shalt  }
0x4c: {  	_ =	shalt  }
0x4d: {  	_ =	shalt  }
0x4e: {  	_ =	shalt  }
0x4f: {  	_ =	shalt  }
0x50: {  	_ =	shalt  }
0x51: {  	_ =	shalt  }
0x52: {  	_ =	shalt  }
0x53: {  	_ =	shalt  }
0x54: {  	_ =	shalt  }
0x55: {  	_ =	shalt  }
0x56: {  	_ =	shalt  }
0x57: {  	_ =	shalt  }
0x58: {  	_ =	shalt  }
0x59: {  	_ =	shalt  }
0x5a: {  	_ =	shalt  }
0x5b: {  	_ =	shalt  }
0x5c: {  	_ =	shalt  }
0x5d: {  	_ =	shalt  }
0x5e: {  	_ =	shalt  }
0x5f: {  	_ =	shalt  }
0x60: {  	_ =	shalt  }
0x61: {  	_ =	shalt  }
0x62: {  	_ =	shalt  }
0x63: {  	_ =	shalt  }
0x64: {  	_ =	shalt  }
0x65: {  	_ =	shalt  }
0x66: {  	_ =	shalt  }
0x67: {  	_ =	shalt  }
0x68: {  	_ =	shalt  }
0x69: {  	_ =	shalt  }
0x6a: {  	_ =	shalt  }
0x6b: {  	_ =	shalt  }
0x6c: {  	_ =	shalt  }
0x6d: {  	_ =	shalt  }
0x6e: {  	_ =	shalt  }
0x6f: {  	_ =	shalt  }
0x70: {  	_ =	shalt  }
0x71: {  	_ =	shalt  }
0x72: {  	_ =	shalt  }
0x73: {  	_ =	shalt  }
0x74: {  	_ =	shalt  }
0x75: {  	_ =	shalt  }
0x76: {  	_ =	shalt  }
0x77: {  	_ =	shalt  }
0x78: {  	_ =	shalt  }
0x79: {  	_ =	shalt  }
0x7a: {  	_ =	shalt  }
0x7b: {  	_ =	shalt  }
0x7c: {  	_ =	shalt  }
0x7d: {  	_ =	shalt  }
0x7e: {  	_ =	shalt  }
0x7f: {  	_ =	shalt  }
0x80: {  	_ =	shalt  }
0x81: {  	_ =	shalt  }
0x82: {  	_ =	shalt  }
0x83: {  	_ =	shalt  }
0x84: {  	_ =	shalt  }
0x85: {  	_ =	shalt  }
0x86: {  	_ =	shalt  }
0x87: {  	_ =	shalt  }
.Lfunc_end0:
.L_simem_size_0:
called_computation_lowered:
.L_overlay_start_0:
0x88: {  	s2 =	sld [smem:$0x3FD9]  }
0x89: {  	s3 =	sld [smem:$0x3FFE];
	_ =	sdelay $0x1  }
0x8a: {  	s1 =	srdreg.scid  }
0x8b: {  	s0 =	sand.u32 $0x1, s1  }
0x8c: {  	s14 =	sshll.u32 s0, $0xA;
	s2 =	sadd.s32 s3, s2  }
0x8d: {  	s2 =	sadd.s32 s2, s14  }
0x8e: {  	[smem:$0x3FC6] =	sst s2  }
0x8f: {  	_ = 	snop  }
0x90: {  	s2 =	sld [smem:$0x3FD0];
	_ =	sdelay $0x2  }
0x91: {  	s15 =	simm.s32 $0xA;
	s4 =	simm.s32 $0x10  }
0x92: {  	[smem:s4], [sflag:s15] =	dma.local [hbm:s2], $0x1  }
0x93: {  	_ =	swait.eq [sflag:s15], $0x1  }
0x94: {  	[sflag:s15] =	ssyncset.done $0x0  }
0x95: {  	[sflag:s15] =	ssyncadd.s32 $0xFFFFFFFF  }
0x96: {  	s16 =	sld [smem:$0x10];
	(tm) =	ssettm $0x1  }
0x97: {  	s17 =	sld [smem:$0x3FFB];
	_ =	sdelay $0x3  }
0x98: {  	_ =	strace s17  }
0x99: {  	s3 =	sld [smem:$0x3FFC];
	_ =	sdelay $0x3  }
0x9a: {  	_ =	strace s3  }
0x9b: {  	s3 =	sld [smem:$0x3FFD];
	_ =	sdelay $0x3  }
0x9c: {  	_ =	strace s3  }
0x9d: {  	_ =	strace $0x8FFFFFFF  }
0x9e: {  	s18 =	sld [smem:$0x3FDB];
	_ =	sdelay $0x1  }
0x9f: {  	s19 =	simm.s32 $_scs_section_size  }
0xa0: {  	s5 =	simm.s32 $_size__tile_overlayer_lowered;
	s6 =	simm.s32 $_tile_overlayer_lowered  }
0xa1: {  	s22 =	simm.s32 $0x1BFF;
	s21 =	sshll.u32 s6, $0x1;
	s3 =	sadd.s32 s19, s18  }
0xa2: {  	s7 =	simm.s32 $0x0;
	s20 =	sshll.u32 s5, $0x1;
	s5 =	sadd.s32 s21, s3  }
0xa3: {  	[timem:s7], [sflag:s22] =	dma.local [hbm:s5], s20  }
0xa4: {  	_ =	swait.ge [sflag:s22], s20  }
0xa5: {  	s4 =	ssub.s32 $0x0, s20;
	[sflag:s22] =	ssyncset.done $0x0  }
0xa6: {  	[sflag:s22] =	ssyncadd.s32 s4;
	_ =	sdelay $0x1  }
0xa7: {  	s23 =	simm.s32 $0x1B8B  }
0xa8: {  	_ =	swait.ge [sflag:s23], $0x1  }
0xa9: {  	[sflag:s23] =	ssyncset.done $0x0  }
0xaa: {  	s25 =	simm.s32 $0x1B8E;
	s24 =	sld [smem:$0x3FFE];
	[sflag:s23] =	ssyncadd.s32 $0xFFFFFFFF  }
0xab: {  	s26 =	simm.s32 $execute0_lowered;
	[smem:$0x3FD2] =	sst s25  }
0xac: {  	s5 =	sshll.u32 s26, $0x1;
	_ =	strace $0x80000046;
	[dreg:$0x1] =	wrdreg $0xFFFFFFFF  }
0xad: {  	s28 =	simm.s32 $_size_execute0_lowered;
	s3 =	sadd.s32 s3, s5;
	[dreg:$0x0] =	wrdreg $0x0  }
0xae: {  	s5 =	sshll.u32 s28, $0x1;
	[dreg:$0x2] =	wrdreg s3  }
0xaf: {  	[dreg:$0x3] =	wrdreg s5  }
0xb0: {  	[dreg:$0x4] =	wrdreg $0xC0  }
0xb1: {  	_ =	task [dreg:s7], $0x5FFFF  }
0xb2: {  	[dreg:$0x1] =	wrdreg $0xFFFFFFFF  }
0xb3: {  	[dreg:$0x0] =	wrdreg $0x60  }
0xb4: {  	[dreg:$0x2] =	wrdreg s16  }
0xb5: {  	[dreg:$0x3] =	wrdreg s24  }
0xb6: {  	[dreg:$0x4] =	wrdreg $0x9  }
0xb7: {  	_ =	task.clear_ibuf [dreg:s7], $0x5FFFF;
	_ =	strace $0x90000046  }
0xb8: {  	s29 =	simm.s32 $0x9;
	_ =	strace $0x80000048  }
0xb9: {  	_ =	swait.ge [sflag:s29], $0x1  }
0xba: {  	[sflag:s29] =	ssyncadd.s32 $0xFFFFFFFF  }
0xbb: {  	_ =	strace $0x90000048  }
0xbc: {  	_ =	sfence  }
0xbd: {  	s30 =	sld [smem:$0x0];
	_ =	sdelay $0x2  }
0xbe: {  	s31 =	sshll.u32 s1, $0xD;
	s1 =	sshrl.u32 s1, $0x2  }
0xbf: {  	s3 =	sand.u32 $0x4000, s31;
	s1 =	sadd.s32 s1, s30  }
0xc0: {  	s0 =	sor.u32 s3, s0;
	s1 =	sshll.u32 s1, $0x11  }
0xc1: {  	s0 =	sor.u32 s1, s0  }
0xc2: {  	s0 =	sadd.s32 $0x8F2B, s0  }
0xc3: {  	[sflag:s0] =	ssyncadd.remote.s32 $0x1  }
0xc4: {  	_ =	sfence.sel $0xFFFF  }
0xc5: {  	[dreg:$0x0] =	wrdreg $0xFFFFFFFF;
	(pc) =	sbr.abs _section_cstart, $3  }
0xc6: {  	[dreg:$0x1] =	wrdreg $0xFFFFFFFF  }
0xc7: {  	_ =	task.clear_ibuf [dreg:s7], $0x2FFFF;
	_ =	strace $0x9FFFFFFF  }
0xc8: {  	(tm) =	ssettm $0x7FFFFFFF  }
0xc9: {  	_ =	shalt  }
tec
execute0_lowered:
.L_overlay_start_1:
0x0: {  	(tag) =	ssettag $0x1  }
0x1: {  	s1 =	srdreg.scid  }
0x2: {  	s0 =	stileid.u32;
	s6 =	sand.u32 $0x1, s1  }
0x3: {  	s2 =	rddreg [dreg:$0x0];
	s30 =	sshll.u32 s0, $0x9;
	s3 =	sshll.u32 s6, $0x8  }
0x4: {  	s8 =	rddreg [dreg:$0x1];
	s7 =	simm.s32 $0x1;
	s9 =	sor.u32 s3, s30  }
0x5: {  	s1 =	rddreg [dreg:$0x2];
	s3 =	simm.s32 $0x0;
	s4 =	sshrl.u32 s9, $0x3  }
0x6: {  	s10 =	ssub.s32 $0x2, s6;
	[smem:$0x7FF] =	sst s3;
	s4 =	sadd.s32 s4, s8  }
0x7: {  	_ =	strace $0x80000047;
	s5 =	sadd.s32 $0x600, s4;
	s4 =	simm.s32 $0x2  }
0x8: {  	[tilespmem:s3], [sflag:$0x2] =	stream.linear.gather [hbm4b:s5+s3], $0x100, $0x38;
	[tilespmem:$0x4100] =	vst v63  }
0x9: {  	s6 =	simm.s32 $0x100;
	s11 =	sshrl.u32 s10, $0x1;
	_ =	swait.ge [sflag:s4], $0x100  }
0xa: {  	s9 =	sshll.u32 s9, $0x3;
	s31 =	ssub.s32 s10, s11;
	[sflag:s4] =	ssyncset.done $0x0  }
0xb: {  	s8 =	sadd.s32 s9, s8;
	s9 =	smax.u32 s31, $0x1;
	[sflag:s4] =	ssyncadd.s32 $0xFFFFFF00  }
0xc: {  	[tilespmem:s6], [sflag:$0x1] =	stream.indirect.gather [hbm4b:s2+s6], $0x40, s3, s6, $0xb8;
	[tilespmem:$0x4100] =	vst v63  }
0xd: {  	p0 =	sne.s32 s9, $0x1;
	_ =	swait.ge [sflag:s7], $0x4000  }
.Ltmp0:
0xe: {  	[sflag:s7] =	ssyncset.done $0x0;
	(pc) =	sbr.rel @!p0 .LBB2_2-.Ltmp0, $4  }
0xf: {  	s8 =	sadd.s32 $0xA00, s8;
	[sflag:s7] =	ssyncadd.s32 $0xFFFFC000  }
0x10: {  	[hbm4b:s8+s3] =	stream.linear.scatter [tilespmem:s6], [sflag:$0x2], $0x4000, $0x38;
	[tilespmem:$0x4100] =	vst v63  }
0x11: {  	_ =	swait.ge [sflag:s4], $0x4000  }
0x12: {  	s9 =	sadd.s32 $0xFFFFFFFF, s9;
	[sflag:s4] =	ssyncset.done $0x0  }
.LBB2_1:
0x13: {  	p0 =	sne.s32 s9, $0x1;
	s9 =	sadd.s32 $0xFFFFFFFF, s9;
	[sflag:s4] =	ssyncadd.s32 $0xFFFFC000  }
0x14: {  	[tilespmem:s3], [sflag:$0x2] =	stream.linear.gather [hbm4b:s5+s3], $0x100, $0x38;
	[tilespmem:$0x4100] =	vst v63  }
0x15: {  	_ =	swait.ge [sflag:s4], $0x100  }
0x16: {  	[sflag:s4] =	ssyncset.done $0x0  }
0x17: {  	[sflag:s4] =	ssyncadd.s32 $0xFFFFFF00  }
0x18: {  	[tilespmem:s6], [sflag:$0x1] =	stream.indirect.gather [hbm4b:s2+s6], $0x40, s3, s6, $0xb8;
	[tilespmem:$0x4100] =	vst v63  }
0x19: {  	_ =	swait.ge [sflag:s7], $0x4000  }
.Ltmp1:
0x1a: {  	[sflag:s7] =	ssyncset.done $0x0;
	(pc) =	sbr.rel @p0 .LBB2_1-.Ltmp1, $4  }
0x1b: {  	[sflag:s7] =	ssyncadd.s32 $0xFFFFC000  }
0x1c: {  	[hbm4b:s8+s3] =	stream.linear.scatter [tilespmem:s6], [sflag:$0x2], $0x4000, $0x38;
	[tilespmem:$0x4100] =	vst v63  }
0x1d: {  	_ =	swait.ge [sflag:s4], $0x4000  }
0x1e: {  	[sflag:s4] =	ssyncset.done $0x0  }
.LBB2_2:
0x1f: {  	[sflag:s4] =	ssyncadd.s32 $0xFFFFC000  }
0x20: {  	_ =	sfence.sel $0x180000  }
0x21: {  	[bflag:$0x0] =	sbarrier.arrive $0xFFFF  }
0x22: {  	p0 =	sne.s32 s0, $0x0;
	_ =	strace $0x90000047  }
0x23: {  	s0 =	sadd.s32 @!p0 $0x100000, s1;
	[bflag:$0x2] =	sbarrier.arrive $0xFFFF  }
0x24: {  	[sflag:s0] =	ssyncadd.tile.s32 @!p0 $0x1;
	_ =	shalt  }
.Lfunc_end2:
_tile_overlayer_lowered:
.L_overlay_start_2:
0x25: {  	(tag) =	ssettag $0x2  }
0x26: {  	s0 =	rddreg [dreg:$0x0];
	s2 =	stileid.u32  }
0x27: {  	s1 =	rddreg [dreg:$0x1];
	p0 =	sne.s32 s2, $0x0  }
0x28: {  	s3 =	rddreg [dreg:$0x2];
	[bflag:$0x3] =	sbarrier.arrive $0xFFFF;
	s2 =	simm.s32 @!p0 $0x1C02  }
0x29: {  	[timem:s3], [sflag:s2] =	dma.local @!p0 [hbm:s0], s1  }
0x2a: {  	s0 =	simm.s32 @!p0 $0x2  }
0x2b: {  	_ =	swait.ge @!p0 [sflag:s0], s1  }
0x2c: {  	s1 =	ssub.s32 @!p0 $0x0, s1;
	[sflag:s0] =	ssyncset.done @!p0 $0x0  }
0x2d: {  	[sflag:s0] =	ssyncadd.s32 @!p0 s1  }
0x2e: {  	[bflag:$0x3] =	sbarrier.arrive $0xFFFF  }
0x2f: {  	_ =	shalt  }

</sc_bundles>
